<compile_context>
chip_gen: v7x
topology: tpu7x:2x2x1
jax: 0.10.2.dev20260603
libtpu: 0.0.44.dev20260713+nightly
codegen_flags: <defaults>
</compile_context>

<pallas_src>
import functools

import jax
import jax.numpy as jnp
from jax import lax
from jax.experimental import pallas as pl
from jax.experimental.pallas import tpu as pltpu
from jax.experimental.pallas import tpu_sc as plsc

_D = 64
_W = 128
_NW = 32
_G = 128
_NBUF = 4


@functools.partial(jax.jit, static_argnums=(2,))
def _gather_rows(table2, flat_idx2, n):
    b_per_w = n // _NW
    n_t = b_per_w // _G
    n_outer = n_t // _NBUF
    mesh = plsc.VectorSubcoreMesh(core_axis_name="c", subcore_axis_name="s")

    @functools.partial(
        pl.kernel,
        mesh=mesh,
        out_type=jax.ShapeDtypeStruct((n, _W), jnp.float32),
        scratch_types=(
            [pltpu.VMEM((b_per_w,), jnp.int32)]
            + [pltpu.VMEM((_G, _D), jnp.float32) for _ in range(_NBUF)]
            + [pltpu.SemaphoreType.DMA for _ in range(2 * _NBUF)]
        ),
        compiler_params=pltpu.CompilerParams(use_tc_tiling_on_sc=False),
    )
    def k(table_hbm, idx_hbm, out_hbm, idx_v, *rest):
        bufs = rest[:_NBUF]
        gsems = rest[_NBUF:2 * _NBUF]
        wsems = rest[2 * _NBUF:]
        wid = lax.axis_index("s") * 2 + lax.axis_index("c")
        base = wid * b_per_w
        pltpu.sync_copy(idx_hbm.at[pl.ds(base, b_per_w)], idx_v)

        def fire_gather(t, b):
            pltpu.async_copy(
                table_hbm.at[idx_v.at[pl.ds(t * _G, _G)]], bufs[b], gsems[b])

        def drain_gather(b):
            pltpu.make_async_copy(
                table_hbm.at[pl.ds(0, _G)], bufs[b], gsems[b]).wait()

        def fire_write(t, b):
            pltpu.async_copy(
                bufs[b],
                out_hbm.at[pl.ds(base + t * _G, _G), pl.ds(0, _D)], wsems[b])

        def drain_write(b):
            pltpu.make_async_copy(
                bufs[b],
                out_hbm.at[pl.ds(base, _G), pl.ds(0, _D)], wsems[b]).wait()

        for b in range(_NBUF):
            fire_gather(b, b)

        def round_body(g, carry):
            for b in range(_NBUF):
                drain_gather(b)
                fire_write((g - 1) * _NBUF + b, b)
            for b in range(_NBUF):
                drain_write(b)
                fire_gather(g * _NBUF + b, b)
            return carry

        lax.fori_loop(1, n_outer, round_body, 0)

        for b in range(_NBUF):
            drain_gather(b)
            fire_write((n_outer - 1) * _NBUF + b, b)
        for b in range(_NBUF):
            drain_write(b)

    return k(table2, flat_idx2)


def kernel(inputs, weight):
    b, s = inputs.shape
    n = b * s
    flat_idx2 = inputs.reshape(n).astype(jnp.int32) * 2
    table = jnp.pad(weight, ((0, 0), (0, _W - _D)))
    table2 = table.reshape(2 * weight.shape[0], _D)
    out = _gather_rows(table2, flat_idx2, n)
    return out[:, :_D].reshape(b, s, _D)

# --- scband reference (transcript-rebuilt; emitter-appended) ---
"""Pipeline reference for scband-shared-token-embedding-5892695130164 (READ-ONLY COPY).

The authoritative reference and input builder live on the scoring server;
editing this copy changes nothing except your own understanding.
"""

import jax, jax.numpy as jnp
import numpy as np

VOCAB_SIZE = 1000000
HIDDEN_SIZE = 64

def setup_inputs(seed: int = 0) -> dict:
    key = jax.random.key(seed)
    k_idx, k_w = jax.random.split(key)
    inputs = jax.random.randint(k_idx, (4096, 200), 0, VOCAB_SIZE, dtype=jnp.int64 if jax.config.jax_enable_x64 else jnp.int32)
    # TruncatedNormal(mean=0, stddev=hidden_size**-0.5)
    stddev = HIDDEN_SIZE ** (-0.5)
    weight = jax.random.truncated_normal(k_w, -2.0, 2.0, (VOCAB_SIZE, HIDDEN_SIZE), dtype=jnp.float32) * stddev
    return {"inputs": inputs, "weight": weight}

def reference(inputs, weight):
    # mode='embedding': tf.gather(self.weight, inputs)
    return jnp.take(weight, inputs, axis=0)

if __name__ == "__main__":
    import jax
    _d = setup_inputs()
    print(jax.jit(kernel)(*tuple(_d.values())))

</pallas_src>

<mosaic_0001>
#map = affine_map<(d0, d1) -> (0, 0)>
#map1 = affine_map<(d0, d1) -> (0)>
module attributes {stable_mosaic.version = 14 : i64} {
  func.func @k(%arg0: i32, %arg1: i32, %arg2: memref<2000000x64xf32, #tpu.memory_space<hbm>>, %arg3: memref<819200xi32, #tpu.memory_space<hbm>>, %arg4: memref<819200x128xf32, #tpu.memory_space<hbm>>, %arg5: memref<25600xi32, #tpu.memory_space<vmem>>, %arg6: memref<128x64xf32, #tpu.memory_space<vmem>>, %arg7: memref<128x64xf32, #tpu.memory_space<vmem>>, %arg8: memref<128x64xf32, #tpu.memory_space<vmem>>, %arg9: memref<128x64xf32, #tpu.memory_space<vmem>>, %arg10: memref<!tpu.dma_semaphore, #tpu.memory_space<semaphore_mem>>, %arg11: memref<!tpu.dma_semaphore, #tpu.memory_space<semaphore_mem>>, %arg12: memref<!tpu.dma_semaphore, #tpu.memory_space<semaphore_mem>>, %arg13: memref<!tpu.dma_semaphore, #tpu.memory_space<semaphore_mem>>, %arg14: memref<!tpu.dma_semaphore, #tpu.memory_space<semaphore_mem>>, %arg15: memref<!tpu.dma_semaphore, #tpu.memory_space<semaphore_mem>>, %arg16: memref<!tpu.dma_semaphore, #tpu.memory_space<semaphore_mem>>, %arg17: memref<!tpu.dma_semaphore, #tpu.memory_space<semaphore_mem>>) attributes {dimension_semantics = [#tpu.dimension_semantics<core_parallel>, #tpu.dimension_semantics<subcore_parallel>], iteration_bounds = array<i64: 2, 16>, scalar_prefetch = 0 : i64, scratch_operands = 13 : i64, tpu.core_type = #tpu.core_type<sc_vector_subcore>, window_params = [{transform_indices = #map}, {transform_indices = #map1}, {transform_indices = #map}]} {
    %mul3A = arith.constant 2 : i32
    %mul3A_0 = arith.muli %arg1, %mul3A : i32
    %add3A = arith.addi %mul3A_0, %arg0 : i32
    %mul3A_1 = arith.constant 25600 : i32
    %mul3A_2 = arith.muli %add3A, %mul3A_1 : i32
    "tpu.region"() ({
      %run_scoped3A = tpu.sem_alloc : memref<!tpu.dma_semaphore, #tpu.memory_space<semaphore_mem>>
      %dma_start3A_90 = tpu.memref_slice %arg3[%mul3A_2] : memref<819200xi32, #tpu.memory_space<hbm>> -> memref<25600xi32, #tpu.memory_space<hbm>>
      %dma_start3A_91 = tpu.memref_slice %arg3[%mul3A_2] : memref<819200xi32, #tpu.memory_space<hbm>> -> memref<25600xi32, #tpu.memory_space<hbm>>
      tpu.enqueue_dma source(%dma_start3A_91 : memref<25600xi32, #tpu.memory_space<hbm>>) target(%arg5 : memref<25600xi32, #tpu.memory_space<vmem>>) target_semaphore(%run_scoped3A : memref<!tpu.dma_semaphore, #tpu.memory_space<semaphore_mem>>)
      %dma_wait3A_92 = tpu.memref_slice %arg3[%mul3A_2] : memref<819200xi32, #tpu.memory_space<hbm>> -> memref<25600xi32, #tpu.memory_space<hbm>>
      %dma_wait3A_93 = tpu.memref_slice %arg3[%mul3A_2] : memref<819200xi32, #tpu.memory_space<hbm>> -> memref<25600xi32, #tpu.memory_space<hbm>>
      tpu.wait_dma2 semaphore(%run_scoped3A : memref<!tpu.dma_semaphore, #tpu.memory_space<semaphore_mem>>) src(%dma_wait3A_93 : memref<25600xi32, #tpu.memory_space<hbm>>) dst(%arg5 : memref<25600xi32, #tpu.memory_space<vmem>>)
      tpu.yield
    }) : () -> ()
    %dma_start3A = arith.constant 0 : i32
    %dma_start3A_3 = tpu.memref_slice %arg5[%dma_start3A] : memref<25600xi32, #tpu.memory_space<vmem>> -> memref<128xi32, #tpu.memory_space<vmem>>
    %dma_start3A_4 = arith.constant 0 : i32
    %dma_start3A_5 = arith.constant 0 : i32
    %dma_start3A_6 = tpu.memref_slice %arg2[%dma_start3A_4, %dma_start3A_5] : memref<2000000x64xf32, #tpu.memory_space<hbm>> -> memref<2000000x64xf32, #tpu.memory_space<hbm>>
    tpu.enqueue_indirect_dma source(%dma_start3A_6 : memref<2000000x64xf32, #tpu.memory_space<hbm>>) target(%arg6 : memref<128x64xf32, #tpu.memory_space<vmem>>) offsets(%dma_start3A_3 : memref<128xi32, #tpu.memory_space<vmem>>) semaphore(%arg10 : memref<!tpu.dma_semaphore, #tpu.memory_space<semaphore_mem>>)
    %dma_start3A_7 = arith.constant 128 : i32
    %dma_start3A_8 = tpu.memref_slice %arg5[%dma_start3A_7] : memref<25600xi32, #tpu.memory_space<vmem>> -> memref<128xi32, #tpu.memory_space<vmem>>
    %dma_start3A_9 = arith.constant 0 : i32
    %dma_start3A_10 = arith.constant 0 : i32
    %dma_start3A_11 = tpu.memref_slice %arg2[%dma_start3A_9, %dma_start3A_10] : memref<2000000x64xf32, #tpu.memory_space<hbm>> -> memref<2000000x64xf32, #tpu.memory_space<hbm>>
    tpu.enqueue_indirect_dma source(%dma_start3A_11 : memref<2000000x64xf32, #tpu.memory_space<hbm>>) target(%arg7 : memref<128x64xf32, #tpu.memory_space<vmem>>) offsets(%dma_start3A_8 : memref<128xi32, #tpu.memory_space<vmem>>) semaphore(%arg11 : memref<!tpu.dma_semaphore, #tpu.memory_space<semaphore_mem>>)
    %dma_start3A_12 = arith.constant 256 : i32
    %dma_start3A_13 = tpu.memref_slice %arg5[%dma_start3A_12] : memref<25600xi32, #tpu.memory_space<vmem>> -> memref<128xi32, #tpu.memory_space<vmem>>
    %dma_start3A_14 = arith.constant 0 : i32
    %dma_start3A_15 = arith.constant 0 : i32
    %dma_start3A_16 = tpu.memref_slice %arg2[%dma_start3A_14, %dma_start3A_15] : memref<2000000x64xf32, #tpu.memory_space<hbm>> -> memref<2000000x64xf32, #tpu.memory_space<hbm>>
    tpu.enqueue_indirect_dma source(%dma_start3A_16 : memref<2000000x64xf32, #tpu.memory_space<hbm>>) target(%arg8 : memref<128x64xf32, #tpu.memory_space<vmem>>) offsets(%dma_start3A_13 : memref<128xi32, #tpu.memory_space<vmem>>) semaphore(%arg12 : memref<!tpu.dma_semaphore, #tpu.memory_space<semaphore_mem>>)
    %dma_start3A_17 = arith.constant 384 : i32
    %dma_start3A_18 = tpu.memref_slice %arg5[%dma_start3A_17] : memref<25600xi32, #tpu.memory_space<vmem>> -> memref<128xi32, #tpu.memory_space<vmem>>
    %dma_start3A_19 = arith.constant 0 : i32
    %dma_start3A_20 = arith.constant 0 : i32
    %dma_start3A_21 = tpu.memref_slice %arg2[%dma_start3A_19, %dma_start3A_20] : memref<2000000x64xf32, #tpu.memory_space<hbm>> -> memref<2000000x64xf32, #tpu.memory_space<hbm>>
    tpu.enqueue_indirect_dma source(%dma_start3A_21 : memref<2000000x64xf32, #tpu.memory_space<hbm>>) target(%arg9 : memref<128x64xf32, #tpu.memory_space<vmem>>) offsets(%dma_start3A_18 : memref<128xi32, #tpu.memory_space<vmem>>) semaphore(%arg13 : memref<!tpu.dma_semaphore, #tpu.memory_space<semaphore_mem>>)
    %scan3A = arith.constant 0 : i32
    %scan3A_22 = arith.constant 1 : i32
    %scan3A_23 = arith.constant 49 : i32
    %scan3A_24 = arith.addi %scan3A_22, %scan3A_23 : i32
    %scan3A_25 = arith.constant 1 : i32
    scf.for %scan3A_90 = %scan3A_22 to %scan3A_24 step %scan3A_25  : i32 {
      %dma_wait3A_91 = arith.constant 0 : i32
      %dma_wait3A_92 = arith.constant 0 : i32
      %dma_wait3A_93 = tpu.memref_slice %arg2[%dma_wait3A_91, %dma_wait3A_92] : memref<2000000x64xf32, #tpu.memory_space<hbm>> -> memref<128x64xf32, #tpu.memory_space<hbm>>
      %dma_wait3A_94 = arith.constant 0 : i32
      %dma_wait3A_95 = arith.constant 0 : i32
      %dma_wait3A_96 = tpu.memref_slice %arg2[%dma_wait3A_94, %dma_wait3A_95] : memref<2000000x64xf32, #tpu.memory_space<hbm>> -> memref<128x64xf32, #tpu.memory_space<hbm>>
      tpu.wait_dma2 semaphore(%arg10 : memref<!tpu.dma_semaphore, #tpu.memory_space<semaphore_mem>>) src(%dma_wait3A_96 : memref<128x64xf32, #tpu.memory_space<hbm>>) dst(%arg6 : memref<128x64xf32, #tpu.memory_space<vmem>>)
      %sub3A = arith.constant 1 : i32
      %sub3A_97 = arith.subi %scan3A_90, %sub3A : i32
      %mul3A_98 = arith.constant 4 : i32
      %mul3A_99 = arith.muli %sub3A_97, %mul3A_98 : i32
      %add3A_100 = arith.constant 0 : i32
      %add3A_101 = arith.addi %mul3A_99, %add3A_100 : i32
      %mul3A_102 = arith.constant 128 : i32
      %mul3A_103 = arith.muli %add3A_101, %mul3A_102 : i32
      %add3A_104 = arith.addi %mul3A_2, %mul3A_103 : i32
      %dma_start3A_105 = arith.constant 0 : i32
      %dma_start3A_106 = tpu.memref_slice %arg4[%add3A_104, %dma_start3A_105] : memref<819200x128xf32, #tpu.memory_space<hbm>> -> memref<128x64xf32, #tpu.memory_space<hbm>>
      %dma_start3A_107 = arith.constant 0 : i32
      %dma_start3A_108 = tpu.memref_slice %arg4[%add3A_104, %dma_start3A_107] : memref<819200x128xf32, #tpu.memory_space<hbm>> -> memref<128x64xf32, #tpu.memory_space<hbm>>
      tpu.enqueue_dma source(%arg6 : memref<128x64xf32, #tpu.memory_space<vmem>>) target(%dma_start3A_108 : memref<128x64xf32, #tpu.memory_space<hbm>>) target_semaphore(%arg14 : memref<!tpu.dma_semaphore, #tpu.memory_space<semaphore_mem>>)
      %dma_wait3A_109 = arith.constant 0 : i32
      %dma_wait3A_110 = arith.constant 0 : i32
      %dma_wait3A_111 = tpu.memref_slice %arg2[%dma_wait3A_109, %dma_wait3A_110] : memref<2000000x64xf32, #tpu.memory_space<hbm>> -> memref<128x64xf32, #tpu.memory_space<hbm>>
      %dma_wait3A_112 = arith.constant 0 : i32
      %dma_wait3A_113 = arith.constant 0 : i32
      %dma_wait3A_114 = tpu.memref_slice %arg2[%dma_wait3A_112, %dma_wait3A_113] : memref<2000000x64xf32, #tpu.memory_space<hbm>> -> memref<128x64xf32, #tpu.memory_space<hbm>>
      tpu.wait_dma2 semaphore(%arg11 : memref<!tpu.dma_semaphore, #tpu.memory_space<semaphore_mem>>) src(%dma_wait3A_114 : memref<128x64xf32, #tpu.memory_space<hbm>>) dst(%arg7 : memref<128x64xf32, #tpu.memory_space<vmem>>)
      %sub3A_115 = arith.constant 1 : i32
      %sub3A_116 = arith.subi %scan3A_90, %sub3A_115 : i32
      %mul3A_117 = arith.constant 4 : i32
      %mul3A_118 = arith.muli %sub3A_116, %mul3A_117 : i32
      %add3A_119 = arith.constant 1 : i32
      %add3A_120 = arith.addi %mul3A_118, %add3A_119 : i32
      %mul3A_121 = arith.constant 128 : i32
      %mul3A_122 = arith.muli %add3A_120, %mul3A_121 : i32
      %add3A_123 = arith.addi %mul3A_2, %mul3A_122 : i32
      %dma_start3A_124 = arith.constant 0 : i32
      %dma_start3A_125 = tpu.memref_slice %arg4[%add3A_123, %dma_start3A_124] : memref<819200x128xf32, #tpu.memory_space<hbm>> -> memref<128x64xf32, #tpu.memory_space<hbm>>
      %dma_start3A_126 = arith.constant 0 : i32
      %dma_start3A_127 = tpu.memref_slice %arg4[%add3A_123, %dma_start3A_126] : memref<819200x128xf32, #tpu.memory_space<hbm>> -> memref<128x64xf32, #tpu.memory_space<hbm>>
      tpu.enqueue_dma source(%arg7 : memref<128x64xf32, #tpu.memory_space<vmem>>) target(%dma_start3A_127 : memref<128x64xf32, #tpu.memory_space<hbm>>) target_semaphore(%arg15 : memref<!tpu.dma_semaphore, #tpu.memory_space<semaphore_mem>>)
      %dma_wait3A_128 = arith.constant 0 : i32
      %dma_wait3A_129 = arith.constant 0 : i32
      %dma_wait3A_130 = tpu.memref_slice %arg2[%dma_wait3A_128, %dma_wait3A_129] : memref<2000000x64xf32, #tpu.memory_space<hbm>> -> memref<128x64xf32, #tpu.memory_space<hbm>>
      %dma_wait3A_131 = arith.constant 0 : i32
      %dma_wait3A_132 = arith.constant 0 : i32
      %dma_wait3A_133 = tpu.memref_slice %arg2[%dma_wait3A_131, %dma_wait3A_132] : memref<2000000x64xf32, #tpu.memory_space<hbm>> -> memref<128x64xf32, #tpu.memory_space<hbm>>
      tpu.wait_dma2 semaphore(%arg12 : memref<!tpu.dma_semaphore, #tpu.memory_space<semaphore_mem>>) src(%dma_wait3A_133 : memref<128x64xf32, #tpu.memory_space<hbm>>) dst(%arg8 : memref<128x64xf32, #tpu.memory_space<vmem>>)
      %sub3A_134 = arith.constant 1 : i32
      %sub3A_135 = arith.subi %scan3A_90, %sub3A_134 : i32
      %mul3A_136 = arith.constant 4 : i32
      %mul3A_137 = arith.muli %sub3A_135, %mul3A_136 : i32
      %add3A_138 = arith.constant 2 : i32
      %add3A_139 = arith.addi %mul3A_137, %add3A_138 : i32
      %mul3A_140 = arith.constant 128 : i32
      %mul3A_141 = arith.muli %add3A_139, %mul3A_140 : i32
      %add3A_142 = arith.addi %mul3A_2, %mul3A_141 : i32
      %dma_start3A_143 = arith.constant 0 : i32
      %dma_start3A_144 = tpu.memref_slice %arg4[%add3A_142, %dma_start3A_143] : memref<819200x128xf32, #tpu.memory_space<hbm>> -> memref<128x64xf32, #tpu.memory_space<hbm>>
      %dma_start3A_145 = arith.constant 0 : i32
      %dma_start3A_146 = tpu.memref_slice %arg4[%add3A_142, %dma_start3A_145] : memref<819200x128xf32, #tpu.memory_space<hbm>> -> memref<128x64xf32, #tpu.memory_space<hbm>>
      tpu.enqueue_dma source(%arg8 : memref<128x64xf32, #tpu.memory_space<vmem>>) target(%dma_start3A_146 : memref<128x64xf32, #tpu.memory_space<hbm>>) target_semaphore(%arg16 : memref<!tpu.dma_semaphore, #tpu.memory_space<semaphore_mem>>)
      %dma_wait3A_147 = arith.constant 0 : i32
      %dma_wait3A_148 = arith.constant 0 : i32
      %dma_wait3A_149 = tpu.memref_slice %arg2[%dma_wait3A_147, %dma_wait3A_148] : memref<2000000x64xf32, #tpu.memory_space<hbm>> -> memref<128x64xf32, #tpu.memory_space<hbm>>
      %dma_wait3A_150 = arith.constant 0 : i32
      %dma_wait3A_151 = arith.constant 0 : i32
      %dma_wait3A_152 = tpu.memref_slice %arg2[%dma_wait3A_150, %dma_wait3A_151] : memref<2000000x64xf32, #tpu.memory_space<hbm>> -> memref<128x64xf32, #tpu.memory_space<hbm>>
      tpu.wait_dma2 semaphore(%arg13 : memref<!tpu.dma_semaphore, #tpu.memory_space<semaphore_mem>>) src(%dma_wait3A_152 : memref<128x64xf32, #tpu.memory_space<hbm>>) dst(%arg9 : memref<128x64xf32, #tpu.memory_space<vmem>>)
      %sub3A_153 = arith.constant 1 : i32
      %sub3A_154 = arith.subi %scan3A_90, %sub3A_153 : i32
      %mul3A_155 = arith.constant 4 : i32
      %mul3A_156 = arith.muli %sub3A_154, %mul3A_155 : i32
      %add3A_157 = arith.constant 3 : i32
      %add3A_158 = arith.addi %mul3A_156, %add3A_157 : i32
      %mul3A_159 = arith.constant 128 : i32
      %mul3A_160 = arith.muli %add3A_158, %mul3A_159 : i32
      %add3A_161 = arith.addi %mul3A_2, %mul3A_160 : i32
      %dma_start3A_162 = arith.constant 0 : i32
      %dma_start3A_163 = tpu.memref_slice %arg4[%add3A_161, %dma_start3A_162] : memref<819200x128xf32, #tpu.memory_space<hbm>> -> memref<128x64xf32, #tpu.memory_space<hbm>>
      %dma_start3A_164 = arith.constant 0 : i32
      %dma_start3A_165 = tpu.memref_slice %arg4[%add3A_161, %dma_start3A_164] : memref<819200x128xf32, #tpu.memory_space<hbm>> -> memref<128x64xf32, #tpu.memory_space<hbm>>
      tpu.enqueue_dma source(%arg9 : memref<128x64xf32, #tpu.memory_space<vmem>>) target(%dma_start3A_165 : memref<128x64xf32, #tpu.memory_space<hbm>>) target_semaphore(%arg17 : memref<!tpu.dma_semaphore, #tpu.memory_space<semaphore_mem>>)
      %dma_wait3A_166 = arith.constant 0 : i32
      %dma_wait3A_167 = tpu.memref_slice %arg4[%mul3A_2, %dma_wait3A_166] : memref<819200x128xf32, #tpu.memory_space<hbm>> -> memref<128x64xf32, #tpu.memory_space<hbm>>
      %dma_wait3A_168 = arith.constant 0 : i32
      %dma_wait3A_169 = tpu.memref_slice %arg4[%mul3A_2, %dma_wait3A_168] : memref<819200x128xf32, #tpu.memory_space<hbm>> -> memref<128x64xf32, #tpu.memory_space<hbm>>
      tpu.wait_dma2 semaphore(%arg14 : memref<!tpu.dma_semaphore, #tpu.memory_space<semaphore_mem>>) src(%arg6 : memref<128x64xf32, #tpu.memory_space<vmem>>) dst(%dma_wait3A_169 : memref<128x64xf32, #tpu.memory_space<hbm>>)
      %mul3A_170 = arith.constant 4 : i32
      %mul3A_171 = arith.muli %scan3A_90, %mul3A_170 : i32
      %add3A_172 = arith.constant 0 : i32
      %add3A_173 = arith.addi %mul3A_171, %add3A_172 : i32
      %mul3A_174 = arith.constant 128 : i32
      %mul3A_175 = arith.muli %add3A_173, %mul3A_174 : i32
      %dma_start3A_176 = tpu.memref_slice %arg5[%mul3A_175] : memref<25600xi32, #tpu.memory_space<vmem>> -> memref<128xi32, #tpu.memory_space<vmem>>
      %dma_start3A_177 = arith.constant 0 : i32
      %dma_start3A_178 = arith.constant 0 : i32
      %dma_start3A_179 = tpu.memref_slice %arg2[%dma_start3A_177, %dma_start3A_178] : memref<2000000x64xf32, #tpu.memory_space<hbm>> -> memref<2000000x64xf32, #tpu.memory_space<hbm>>
      tpu.enqueue_indirect_dma source(%dma_start3A_179 : memref<2000000x64xf32, #tpu.memory_space<hbm>>) target(%arg6 : memref<128x64xf32, #tpu.memory_space<vmem>>) offsets(%dma_start3A_176 : memref<128xi32, #tpu.memory_space<vmem>>) semaphore(%arg10 : memref<!tpu.dma_semaphore, #tpu.memory_space<semaphore_mem>>)
      %dma_wait3A_180 = arith.constant 0 : i32
      %dma_wait3A_181 = tpu.memref_slice %arg4[%mul3A_2, %dma_wait3A_180] : memref<819200x128xf32, #tpu.memory_space<hbm>> -> memref<128x64xf32, #tpu.memory_space<hbm>>
      %dma_wait3A_182 = arith.constant 0 : i32
      %dma_wait3A_183 = tpu.memref_slice %arg4[%mul3A_2, %dma_wait3A_182] : memref<819200x128xf32, #tpu.memory_space<hbm>> -> memref<128x64xf32, #tpu.memory_space<hbm>>
      tpu.wait_dma2 semaphore(%arg15 : memref<!tpu.dma_semaphore, #tpu.memory_space<semaphore_mem>>) src(%arg7 : memref<128x64xf32, #tpu.memory_space<vmem>>) dst(%dma_wait3A_183 : memref<128x64xf32, #tpu.memory_space<hbm>>)
      %mul3A_184 = arith.constant 4 : i32
      %mul3A_185 = arith.muli %scan3A_90, %mul3A_184 : i32
      %add3A_186 = arith.constant 1 : i32
      %add3A_187 = arith.addi %mul3A_185, %add3A_186 : i32
      %mul3A_188 = arith.constant 128 : i32
      %mul3A_189 = arith.muli %add3A_187, %mul3A_188 : i32
      %dma_start3A_190 = tpu.memref_slice %arg5[%mul3A_189] : memref<25600xi32, #tpu.memory_space<vmem>> -> memref<128xi32, #tpu.memory_space<vmem>>
      %dma_start3A_191 = arith.constant 0 : i32
      %dma_start3A_192 = arith.constant 0 : i32
      %dma_start3A_193 = tpu.memref_slice %arg2[%dma_start3A_191, %dma_start3A_192] : memref<2000000x64xf32, #tpu.memory_space<hbm>> -> memref<2000000x64xf32, #tpu.memory_space<hbm>>
      tpu.enqueue_indirect_dma source(%dma_start3A_193 : memref<2000000x64xf32, #tpu.memory_space<hbm>>) target(%arg7 : memref<128x64xf32, #tpu.memory_space<vmem>>) offsets(%dma_start3A_190 : memref<128xi32, #tpu.memory_space<vmem>>) semaphore(%arg11 : memref<!tpu.dma_semaphore, #tpu.memory_space<semaphore_mem>>)
      %dma_wait3A_194 = arith.constant 0 : i32
      %dma_wait3A_195 = tpu.memref_slice %arg4[%mul3A_2, %dma_wait3A_194] : memref<819200x128xf32, #tpu.memory_space<hbm>> -> memref<128x64xf32, #tpu.memory_space<hbm>>
      %dma_wait3A_196 = arith.constant 0 : i32
      %dma_wait3A_197 = tpu.memref_slice %arg4[%mul3A_2, %dma_wait3A_196] : memref<819200x128xf32, #tpu.memory_space<hbm>> -> memref<128x64xf32, #tpu.memory_space<hbm>>
      tpu.wait_dma2 semaphore(%arg16 : memref<!tpu.dma_semaphore, #tpu.memory_space<semaphore_mem>>) src(%arg8 : memref<128x64xf32, #tpu.memory_space<vmem>>) dst(%dma_wait3A_197 : memref<128x64xf32, #tpu.memory_space<hbm>>)
      %mul3A_198 = arith.constant 4 : i32
      %mul3A_199 = arith.muli %scan3A_90, %mul3A_198 : i32
      %add3A_200 = arith.constant 2 : i32
      %add3A_201 = arith.addi %mul3A_199, %add3A_200 : i32
      %mul3A_202 = arith.constant 128 : i32
      %mul3A_203 = arith.muli %add3A_201, %mul3A_202 : i32
      %dma_start3A_204 = tpu.memref_slice %arg5[%mul3A_203] : memref<25600xi32, #tpu.memory_space<vmem>> -> memref<128xi32, #tpu.memory_space<vmem>>
      %dma_start3A_205 = arith.constant 0 : i32
      %dma_start3A_206 = arith.constant 0 : i32
      %dma_start3A_207 = tpu.memref_slice %arg2[%dma_start3A_205, %dma_start3A_206] : memref<2000000x64xf32, #tpu.memory_space<hbm>> -> memref<2000000x64xf32, #tpu.memory_space<hbm>>
      tpu.enqueue_indirect_dma source(%dma_start3A_207 : memref<2000000x64xf32, #tpu.memory_space<hbm>>) target(%arg8 : memref<128x64xf32, #tpu.memory_space<vmem>>) offsets(%dma_start3A_204 : memref<128xi32, #tpu.memory_space<vmem>>) semaphore(%arg12 : memref<!tpu.dma_semaphore, #tpu.memory_space<semaphore_mem>>)
      %dma_wait3A_208 = arith.constant 0 : i32
      %dma_wait3A_209 = tpu.memref_slice %arg4[%mul3A_2, %dma_wait3A_208] : memref<819200x128xf32, #tpu.memory_space<hbm>> -> memref<128x64xf32, #tpu.memory_space<hbm>>
      %dma_wait3A_210 = arith.constant 0 : i32
      %dma_wait3A_211 = tpu.memref_slice %arg4[%mul3A_2, %dma_wait3A_210] : memref<819200x128xf32, #tpu.memory_space<hbm>> -> memref<128x64xf32, #tpu.memory_space<hbm>>
      tpu.wait_dma2 semaphore(%arg17 : memref<!tpu.dma_semaphore, #tpu.memory_space<semaphore_mem>>) src(%arg9 : memref<128x64xf32, #tpu.memory_space<vmem>>) dst(%dma_wait3A_211 : memref<128x64xf32, #tpu.memory_space<hbm>>)
      %mul3A_212 = arith.constant 4 : i32
      %mul3A_213 = arith.muli %scan3A_90, %mul3A_212 : i32
      %add3A_214 = arith.constant 3 : i32
      %add3A_215 = arith.addi %mul3A_213, %add3A_214 : i32
      %mul3A_216 = arith.constant 128 : i32
      %mul3A_217 = arith.muli %add3A_215, %mul3A_216 : i32
      %dma_start3A_218 = tpu.memref_slice %arg5[%mul3A_217] : memref<25600xi32, #tpu.memory_space<vmem>> -> memref<128xi32, #tpu.memory_space<vmem>>
      %dma_start3A_219 = arith.constant 0 : i32
      %dma_start3A_220 = arith.constant 0 : i32
      %dma_start3A_221 = tpu.memref_slice %arg2[%dma_start3A_219, %dma_start3A_220] : memref<2000000x64xf32, #tpu.memory_space<hbm>> -> memref<2000000x64xf32, #tpu.memory_space<hbm>>
      tpu.enqueue_indirect_dma source(%dma_start3A_221 : memref<2000000x64xf32, #tpu.memory_space<hbm>>) target(%arg9 : memref<128x64xf32, #tpu.memory_space<vmem>>) offsets(%dma_start3A_218 : memref<128xi32, #tpu.memory_space<vmem>>) semaphore(%arg13 : memref<!tpu.dma_semaphore, #tpu.memory_space<semaphore_mem>>)
    }
    %scan3A_26 = arith.constant 49 : i32
    %dma_wait3A = arith.constant 0 : i32
    %dma_wait3A_27 = arith.constant 0 : i32
    %dma_wait3A_28 = tpu.memref_slice %arg2[%dma_wait3A, %dma_wait3A_27] : memref<2000000x64xf32, #tpu.memory_space<hbm>> -> memref<128x64xf32, #tpu.memory_space<hbm>>
    %dma_wait3A_29 = arith.constant 0 : i32
    %dma_wait3A_30 = arith.constant 0 : i32
    %dma_wait3A_31 = tpu.memref_slice %arg2[%dma_wait3A_29, %dma_wait3A_30] : memref<2000000x64xf32, #tpu.memory_space<hbm>> -> memref<128x64xf32, #tpu.memory_space<hbm>>
    tpu.wait_dma2 semaphore(%arg10 : memref<!tpu.dma_semaphore, #tpu.memory_space<semaphore_mem>>) src(%dma_wait3A_31 : memref<128x64xf32, #tpu.memory_space<hbm>>) dst(%arg6 : memref<128x64xf32, #tpu.memory_space<vmem>>)
    %add3A_32 = arith.constant 25088 : i32
    %add3A_33 = arith.addi %mul3A_2, %add3A_32 : i32
    %dma_start3A_34 = arith.constant 0 : i32
    %dma_start3A_35 = tpu.memref_slice %arg4[%add3A_33, %dma_start3A_34] : memref<819200x128xf32, #tpu.memory_space<hbm>> -> memref<128x64xf32, #tpu.memory_space<hbm>>
    %dma_start3A_36 = arith.constant 0 : i32
    %dma_start3A_37 = tpu.memref_slice %arg4[%add3A_33, %dma_start3A_36] : memref<819200x128xf32, #tpu.memory_space<hbm>> -> memref<128x64xf32, #tpu.memory_space<hbm>>
    tpu.enqueue_dma source(%arg6 : memref<128x64xf32, #tpu.memory_space<vmem>>) target(%dma_start3A_37 : memref<128x64xf32, #tpu.memory_space<hbm>>) target_semaphore(%arg14 : memref<!tpu.dma_semaphore, #tpu.memory_space<semaphore_mem>>)
    %dma_wait3A_38 = arith.constant 0 : i32
    %dma_wait3A_39 = arith.constant 0 : i32
    %dma_wait3A_40 = tpu.memref_slice %arg2[%dma_wait3A_38, %dma_wait3A_39] : memref<2000000x64xf32, #tpu.memory_space<hbm>> -> memref<128x64xf32, #tpu.memory_space<hbm>>
    %dma_wait3A_41 = arith.constant 0 : i32
    %dma_wait3A_42 = arith.constant 0 : i32
    %dma_wait3A_43 = tpu.memref_slice %arg2[%dma_wait3A_41, %dma_wait3A_42] : memref<2000000x64xf32, #tpu.memory_space<hbm>> -> memref<128x64xf32, #tpu.memory_space<hbm>>
    tpu.wait_dma2 semaphore(%arg11 : memref<!tpu.dma_semaphore, #tpu.memory_space<semaphore_mem>>) src(%dma_wait3A_43 : memref<128x64xf32, #tpu.memory_space<hbm>>) dst(%arg7 : memref<128x64xf32, #tpu.memory_space<vmem>>)
    %add3A_44 = arith.constant 25216 : i32
    %add3A_45 = arith.addi %mul3A_2, %add3A_44 : i32
    %dma_start3A_46 = arith.constant 0 : i32
    %dma_start3A_47 = tpu.memref_slice %arg4[%add3A_45, %dma_start3A_46] : memref<819200x128xf32, #tpu.memory_space<hbm>> -> memref<128x64xf32, #tpu.memory_space<hbm>>
    %dma_start3A_48 = arith.constant 0 : i32
    %dma_start3A_49 = tpu.memref_slice %arg4[%add3A_45, %dma_start3A_48] : memref<819200x128xf32, #tpu.memory_space<hbm>> -> memref<128x64xf32, #tpu.memory_space<hbm>>
    tpu.enqueue_dma source(%arg7 : memref<128x64xf32, #tpu.memory_space<vmem>>) target(%dma_start3A_49 : memref<128x64xf32, #tpu.memory_space<hbm>>) target_semaphore(%arg15 : memref<!tpu.dma_semaphore, #tpu.memory_space<semaphore_mem>>)
    %dma_wait3A_50 = arith.constant 0 : i32
    %dma_wait3A_51 = arith.constant 0 : i32
    %dma_wait3A_52 = tpu.memref_slice %arg2[%dma_wait3A_50, %dma_wait3A_51] : memref<2000000x64xf32, #tpu.memory_space<hbm>> -> memref<128x64xf32, #tpu.memory_space<hbm>>
    %dma_wait3A_53 = arith.constant 0 : i32
    %dma_wait3A_54 = arith.constant 0 : i32
    %dma_wait3A_55 = tpu.memref_slice %arg2[%dma_wait3A_53, %dma_wait3A_54] : memref<2000000x64xf32, #tpu.memory_space<hbm>> -> memref<128x64xf32, #tpu.memory_space<hbm>>
    tpu.wait_dma2 semaphore(%arg12 : memref<!tpu.dma_semaphore, #tpu.memory_space<semaphore_mem>>) src(%dma_wait3A_55 : memref<128x64xf32, #tpu.memory_space<hbm>>) dst(%arg8 : memref<128x64xf32, #tpu.memory_space<vmem>>)
    %add3A_56 = arith.constant 25344 : i32
    %add3A_57 = arith.addi %mul3A_2, %add3A_56 : i32
    %dma_start3A_58 = arith.constant 0 : i32
    %dma_start3A_59 = tpu.memref_slice %arg4[%add3A_57, %dma_start3A_58] : memref<819200x128xf32, #tpu.memory_space<hbm>> -> memref<128x64xf32, #tpu.memory_space<hbm>>
    %dma_start3A_60 = arith.constant 0 : i32
    %dma_start3A_61 = tpu.memref_slice %arg4[%add3A_57, %dma_start3A_60] : memref<819200x128xf32, #tpu.memory_space<hbm>> -> memref<128x64xf32, #tpu.memory_space<hbm>>
    tpu.enqueue_dma source(%arg8 : memref<128x64xf32, #tpu.memory_space<vmem>>) target(%dma_start3A_61 : memref<128x64xf32, #tpu.memory_space<hbm>>) target_semaphore(%arg16 : memref<!tpu.dma_semaphore, #tpu.memory_space<semaphore_mem>>)
    %dma_wait3A_62 = arith.constant 0 : i32
    %dma_wait3A_63 = arith.constant 0 : i32
    %dma_wait3A_64 = tpu.memref_slice %arg2[%dma_wait3A_62, %dma_wait3A_63] : memref<2000000x64xf32, #tpu.memory_space<hbm>> -> memref<128x64xf32, #tpu.memory_space<hbm>>
    %dma_wait3A_65 = arith.constant 0 : i32
    %dma_wait3A_66 = arith.constant 0 : i32
    %dma_wait3A_67 = tpu.memref_slice %arg2[%dma_wait3A_65, %dma_wait3A_66] : memref<2000000x64xf32, #tpu.memory_space<hbm>> -> memref<128x64xf32, #tpu.memory_space<hbm>>
    tpu.wait_dma2 semaphore(%arg13 : memref<!tpu.dma_semaphore, #tpu.memory_space<semaphore_mem>>) src(%dma_wait3A_67 : memref<128x64xf32, #tpu.memory_space<hbm>>) dst(%arg9 : memref<128x64xf32, #tpu.memory_space<vmem>>)
    %add3A_68 = arith.constant 25472 : i32
    %add3A_69 = arith.addi %mul3A_2, %add3A_68 : i32
    %dma_start3A_70 = arith.constant 0 : i32
    %dma_start3A_71 = tpu.memref_slice %arg4[%add3A_69, %dma_start3A_70] : memref<819200x128xf32, #tpu.memory_space<hbm>> -> memref<128x64xf32, #tpu.memory_space<hbm>>
    %dma_start3A_72 = arith.constant 0 : i32
    %dma_start3A_73 = tpu.memref_slice %arg4[%add3A_69, %dma_start3A_72] : memref<819200x128xf32, #tpu.memory_space<hbm>> -> memref<128x64xf32, #tpu.memory_space<hbm>>
    tpu.enqueue_dma source(%arg9 : memref<128x64xf32, #tpu.memory_space<vmem>>) target(%dma_start3A_73 : memref<128x64xf32, #tpu.memory_space<hbm>>) target_semaphore(%arg17 : memref<!tpu.dma_semaphore, #tpu.memory_space<semaphore_mem>>)
    %dma_wait3A_74 = arith.constant 0 : i32
    %dma_wait3A_75 = tpu.memref_slice %arg4[%mul3A_2, %dma_wait3A_74] : memref<819200x128xf32, #tpu.memory_space<hbm>> -> memref<128x64xf32, #tpu.memory_space<hbm>>
    %dma_wait3A_76 = arith.constant 0 : i32
    %dma_wait3A_77 = tpu.memref_slice %arg4[%mul3A_2, %dma_wait3A_76] : memref<819200x128xf32, #tpu.memory_space<hbm>> -> memref<128x64xf32, #tpu.memory_space<hbm>>
    tpu.wait_dma2 semaphore(%arg14 : memref<!tpu.dma_semaphore, #tpu.memory_space<semaphore_mem>>) src(%arg6 : memref<128x64xf32, #tpu.memory_space<vmem>>) dst(%dma_wait3A_77 : memref<128x64xf32, #tpu.memory_space<hbm>>)
    %dma_wait3A_78 = arith.constant 0 : i32
    %dma_wait3A_79 = tpu.memref_slice %arg4[%mul3A_2, %dma_wait3A_78] : memref<819200x128xf32, #tpu.memory_space<hbm>> -> memref<128x64xf32, #tpu.memory_space<hbm>>
    %dma_wait3A_80 = arith.constant 0 : i32
    %dma_wait3A_81 = tpu.memref_slice %arg4[%mul3A_2, %dma_wait3A_80] : memref<819200x128xf32, #tpu.memory_space<hbm>> -> memref<128x64xf32, #tpu.memory_space<hbm>>
    tpu.wait_dma2 semaphore(%arg15 : memref<!tpu.dma_semaphore, #tpu.memory_space<semaphore_mem>>) src(%arg7 : memref<128x64xf32, #tpu.memory_space<vmem>>) dst(%dma_wait3A_81 : memref<128x64xf32, #tpu.memory_space<hbm>>)
    %dma_wait3A_82 = arith.constant 0 : i32
    %dma_wait3A_83 = tpu.memref_slice %arg4[%mul3A_2, %dma_wait3A_82] : memref<819200x128xf32, #tpu.memory_space<hbm>> -> memref<128x64xf32, #tpu.memory_space<hbm>>
    %dma_wait3A_84 = arith.constant 0 : i32
    %dma_wait3A_85 = tpu.memref_slice %arg4[%mul3A_2, %dma_wait3A_84] : memref<819200x128xf32, #tpu.memory_space<hbm>> -> memref<128x64xf32, #tpu.memory_space<hbm>>
    tpu.wait_dma2 semaphore(%arg16 : memref<!tpu.dma_semaphore, #tpu.memory_space<semaphore_mem>>) src(%arg8 : memref<128x64xf32, #tpu.memory_space<vmem>>) dst(%dma_wait3A_85 : memref<128x64xf32, #tpu.memory_space<hbm>>)
    %dma_wait3A_86 = arith.constant 0 : i32
    %dma_wait3A_87 = tpu.memref_slice %arg4[%mul3A_2, %dma_wait3A_86] : memref<819200x128xf32, #tpu.memory_space<hbm>> -> memref<128x64xf32, #tpu.memory_space<hbm>>
    %dma_wait3A_88 = arith.constant 0 : i32
    %dma_wait3A_89 = tpu.memref_slice %arg4[%mul3A_2, %dma_wait3A_88] : memref<819200x128xf32, #tpu.memory_space<hbm>> -> memref<128x64xf32, #tpu.memory_space<hbm>>
    tpu.wait_dma2 semaphore(%arg17 : memref<!tpu.dma_semaphore, #tpu.memory_space<semaphore_mem>>) src(%arg9 : memref<128x64xf32, #tpu.memory_space<vmem>>) dst(%dma_wait3A_89 : memref<128x64xf32, #tpu.memory_space<hbm>>)
    return
  }
}

</mosaic_0001>

<sc_bundles>
// kernel: _gather_rows.3.cloned.1.call-start
scs
__scs_entry_jumppad:
0x0: {  	(pc) =	sbr.rel $0x88, $3  }
0x1: {  	(tag) =	ssettag $0x0;
	lr =	simm.s32 $0x1  }
0x2: {  	[smem:$0x3F9F] =	sst lr;
	_ =	strace $0xD0000000  }
0x3: {  	_ = 	snop  }
0x4: {  	_ = 	snop  }
0x5: {  	_ = 	snop  }
0x6: {  	_ = 	snop  }
0x7: {  	_ = 	snop  }
__scs_overlays_trampoline_lowered:
0x8: {  	[smem:$0x3FAE] =	sst s0  }
0x9: {  	[smem:$0x3FAF] =	sst s1  }
0xa: {  	[smem:$0x3FB0] =	sst s2  }
0xb: {  	[smem:$0x3FB1] =	sst s3  }
0xc: {  	[smem:$0x3FB2] =	sst s4  }
0xd: {  	[smem:$0x3FB3] =	sst s5  }
0xe: {  	[smem:$0x3FB4] =	sst s6  }
0xf: {  	[smem:$0x3FB5] =	sst s7  }
0x10: {  	[smem:$0x3FB6] =	sst s8  }
0x11: {  	[smem:$0x3FB7] =	sst s9;
	s0 =	simm.s32 @!p0 $0x0  }
0x12: {  	s1 =	sld [smem:$0x3F9D];
	s0 =	simm.s32 @p0 $0x1  }
0x13: {  	[smem:$0x3FB8] =	sst s0;
	s0 =	simm.s32 @!p1 $0x0  }
0x14: {  	s2 =	sld [smem:$0x3F9C];
	s0 =	simm.s32 @p1 $0x1  }
0x15: {  	[smem:$0x3FB9] =	sst s0;
	s0 =	simm.s32 @!p2 $0x0  }
0x16: {  	s3 =	sld [smem:$0x3FDB];
	s0 =	simm.s32 @p2 $0x1  }
0x17: {  	s4 =	simm.s32 $0x1BF5;
	[smem:$0x3FBB] =	sst s0  }
0x18: {  	s0 =	sld [smem:$0x3F9E];
	_ =	swait.ge [sflag:s4], $0x0  }
0x19: {  	s7 =	sld [smem:$0x3F9F]  }
0x1a: {  	s8 =	sadd.s32 $0xFFFFE003, lr  }
0x1b: {  	s9 =	sadd.s32 $0xFFFFFEF7, lr;
	s5 =	simm.s32 $0xFFFFFFFF;
	p2 =	slt.u32 s8, $0xFFFFF086  }
0x1c: {  	p1 =	slt.u32 s9, $0xF7A;
	s5 =	simm.s32 @!p2 $0x0  }
0x1d: {  	s5 =	simm.s32 @p1 $0x1;
	p0 =	seq.s32 s7, s2  }
0x1e: {  	s7 =	smul.u32 @!p0 $0xF7A, s2;
	p2 =	seq.s32 @!p0 s5, $0x0  }
0x1f: {  	s9 =	smul.u32 $0xF7A, s1;
	s8 =	simm.s32 @!p0 $0x1BF5;
	p2 =	por !p2, p0  }
0x20: {  	[sflag:s8] =	ssyncset.s32 @!p0 $0xFFFFF086;
	s6 =	sadd.s32 @!p0 s3, s7;
	s7 =	simm.s32 @!p0 $0x108  }
0x21: {  	s3 =	sadd.s32 s3, s9;
	s6 =	sadd.s32 @!p0 $0x88, s6;
	s7 =	simm.s32 @p2 $0x1082  }
0x22: {  	[simem:s7], [sflag:s8] =	dma.local @!p0 [hbm:s6], $0xF7A  }
0x23: {  	s9 =	sor.u32 $0xD0000000, s2;
	s6 =	simm.s32 $0x108;
	_ =	swait.ge @!p0 [sflag:s8], $0x0  }
0x24: {  	s3 =	sadd.s32 $0x88, s3;
	s6 =	simm.s32 @!p1 $0x1082;
	[sflag:s4] =	ssyncset.s32 $0xFFFFF086  }
0x25: {  	[simem:s6], [sflag:s4] =	dma.local [hbm:s3], $0xF7A  }
0x26: {  	[smem:$0x3F9F] =	sst s1;
	(tag) =	ssettag s2;
	_ =	strace s9  }
0x27: {  	s1 =	sld [smem:$0x3FAF]  }
0x28: {  	s2 =	sld [smem:$0x3FB0]  }
0x29: {  	s4 =	sld [smem:$0x3FB2]  }
0x2a: {  	p0 =	seq.s32 s5, $0x0;
	s5 =	sld [smem:$0x3FB3]  }
0x2b: {  	s6 =	sld [smem:$0x3FB4]  }
0x2c: {  	s7 =	sld [smem:$0x3FB5]  }
0x2d: {  	s3 =	simm.s32 $0x108;
	s8 =	sld [smem:$0x3FB6]  }
0x2e: {  	s3 =	simm.s32 @!p0 $0x1082;
	s9 =	sld [smem:$0x3FB7]  }
0x2f: {  	lr =	sadd.s32 s0, s3;
	s0 =	sld [smem:$0x3FAE]  }
0x30: {  	s3 =	sld [smem:$0x3FB1]  }
0x31: {  	[smem:$0x3FBA] =	sst s10  }
0x32: {  	s10 =	sld [smem:$0x3FB8];
	_ =	sdelay $0x3  }
0x33: {  	p0 =	seq.s32 s10, $0x1;
	s10 =	sld [smem:$0x3FBA];
	_ =	sdelay $0x3  }
0x34: {  	[smem:$0x3FBA] =	sst s10  }
0x35: {  	s10 =	sld [smem:$0x3FB9];
	_ =	sdelay $0x3  }
0x36: {  	p1 =	seq.s32 s10, $0x1;
	s10 =	sld [smem:$0x3FBA];
	_ =	sdelay $0x3  }
0x37: {  	[smem:$0x3FBA] =	sst s10  }
0x38: {  	s10 =	sld [smem:$0x3FBB]  }
0x39: {  	_ = 	snop;
	(pc) =	sbr.ind lr, $3  }
0x3a: {  	_ = 	snop  }
0x3b: {  	_ = 	snop  }
0x3c: {  	p2 =	seq.s32 s10, $0x1;
	s10 =	sld [smem:$0x3FBA]  }
0x3d: {  	_ =	shalt  }
0x3e: {  	_ =	shalt  }
0x3f: {  	_ =	shalt  }
0x40: {  	_ =	shalt  }
0x41: {  	_ =	shalt  }
0x42: {  	_ =	shalt  }
0x43: {  	_ =	shalt  }
0x44: {  	_ =	shalt  }
0x45: {  	_ =	shalt  }
0x46: {  	_ =	shalt  }
0x47: {  	_ =	shalt  }
0x48: {  	_ =	shalt  }
0x49: {  	_ =	shalt  }
0x4a: {  	_ =	shalt  }
0x4b: {  	_ =	shalt  }
0x4c: {  	_ =	shalt  }
0x4d: {  	_ =	shalt  }
0x4e: {  	_ =	shalt  }
0x4f: {  	_ =	shalt  }
0x50: {  	_ =	shalt  }
0x51: {  	_ =	shalt  }
0x52: {  	_ =	shalt  }
0x53: {  	_ =	shalt  }
0x54: {  	_ =	shalt  }
0x55: {  	_ =	shalt  }
0x56: {  	_ =	shalt  }
0x57: {  	_ =	shalt  }
0x58: {  	_ =	shalt  }
0x59: {  	_ =	shalt  }
0x5a: {  	_ =	shalt  }
0x5b: {  	_ =	shalt  }
0x5c: {  	_ =	shalt  }
0x5d: {  	_ =	shalt  }
0x5e: {  	_ =	shalt  }
0x5f: {  	_ =	shalt  }
0x60: {  	_ =	shalt  }
0x61: {  	_ =	shalt  }
0x62: {  	_ =	shalt  }
0x63: {  	_ =	shalt  }
0x64: {  	_ =	shalt  }
0x65: {  	_ =	shalt  }
0x66: {  	_ =	shalt  }
0x67: {  	_ =	shalt  }
0x68: {  	_ =	shalt  }
0x69: {  	_ =	shalt  }
0x6a: {  	_ =	shalt  }
0x6b: {  	_ =	shalt  }
0x6c: {  	_ =	shalt  }
0x6d: {  	_ =	shalt  }
0x6e: {  	_ =	shalt  }
0x6f: {  	_ =	shalt  }
0x70: {  	_ =	shalt  }
0x71: {  	_ =	shalt  }
0x72: {  	_ =	shalt  }
0x73: {  	_ =	shalt  }
0x74: {  	_ =	shalt  }
0x75: {  	_ =	shalt  }
0x76: {  	_ =	shalt  }
0x77: {  	_ =	shalt  }
0x78: {  	_ =	shalt  }
0x79: {  	_ =	shalt  }
0x7a: {  	_ =	shalt  }
0x7b: {  	_ =	shalt  }
0x7c: {  	_ =	shalt  }
0x7d: {  	_ =	shalt  }
0x7e: {  	_ =	shalt  }
0x7f: {  	_ =	shalt  }
0x80: {  	_ =	shalt  }
0x81: {  	_ =	shalt  }
0x82: {  	_ =	shalt  }
0x83: {  	_ =	shalt  }
0x84: {  	_ =	shalt  }
0x85: {  	_ =	shalt  }
0x86: {  	_ =	shalt  }
0x87: {  	_ =	shalt  }
.Lfunc_end0:
.L_simem_size_0:
called_computation_lowered:
.L_overlay_start_0:
0x88: {  	s2 =	sld [smem:$0x3FD9]  }
0x89: {  	s3 =	sld [smem:$0x3FFE];
	_ =	sdelay $0x1  }
0x8a: {  	s1 =	srdreg.scid  }
0x8b: {  	s0 =	sand.u32 $0x1, s1  }
0x8c: {  	s17 =	sshll.u32 s0, $0xA;
	s2 =	sadd.s32 s3, s2  }
0x8d: {  	s2 =	sadd.s32 s2, s17  }
0x8e: {  	[smem:$0x3FC6] =	sst s2  }
0x8f: {  	_ = 	snop  }
0x90: {  	s2 =	sld [smem:$0x3FC8]  }
0x91: {  	s18 =	sld [smem:$0x3FD0];
	(tm) =	ssettm $0x1  }
0x92: {  	s4 =	sld [smem:$0x3FFB];
	_ =	sdelay $0x3  }
0x93: {  	_ =	strace s4  }
0x94: {  	s4 =	sld [smem:$0x3FFC];
	_ =	sdelay $0x3  }
0x95: {  	_ =	strace s4  }
0x96: {  	s4 =	sld [smem:$0x3FFD];
	_ =	sdelay $0x3  }
0x97: {  	_ =	strace s4  }
0x98: {  	_ =	strace $0x8FFFFFFF  }
0x99: {  	s19 =	sld [smem:$0x3FDB];
	_ =	sdelay $0x1  }
0x9a: {  	s5 =	simm.s32 $_scs_section_size  }
0x9b: {  	s6 =	simm.s32 $_size__tile_overlayer_lowered;
	s7 =	simm.s32 $_tile_overlayer_lowered  }
0x9c: {  	s22 =	simm.s32 $0x1BFF;
	s21 =	sshll.u32 s7, $0x1;
	s4 =	sadd.s32 s5, s19  }
0x9d: {  	s8 =	simm.s32 $0x0;
	s20 =	sshll.u32 s6, $0x1;
	s6 =	sadd.s32 s21, s4  }
0x9e: {  	[timem:s8], [sflag:s22] =	dma.local [hbm:s6], s20  }
0x9f: {  	_ =	swait.ge [sflag:s22], s20  }
0xa0: {  	s5 =	ssub.s32 $0x0, s20;
	[sflag:s22] =	ssyncset.done $0x0  }
0xa1: {  	[sflag:s22] =	ssyncadd.s32 s5;
	_ =	sdelay $0x1  }
0xa2: {  	s23 =	simm.s32 $0x1B8B  }
0xa3: {  	_ =	swait.ge [sflag:s23], $0x1  }
0xa4: {  	[sflag:s23] =	ssyncset.done $0x0  }
0xa5: {  	s25 =	simm.s32 $0x1B8E;
	s24 =	sld [smem:$0x3FFE];
	[sflag:s23] =	ssyncadd.s32 $0xFFFFFFFF  }
0xa6: {  	s26 =	simm.s32 $execute0_lowered;
	[smem:$0x3FD2] =	sst s25  }
0xa7: {  	s6 =	sshll.u32 s26, $0x1;
	_ =	strace $0x80000046;
	[dreg:$0x1] =	wrdreg $0xFFFFFFFF  }
0xa8: {  	s28 =	simm.s32 $_size_execute0_lowered;
	s4 =	sadd.s32 s4, s6;
	[dreg:$0x0] =	wrdreg $0x0  }
0xa9: {  	s6 =	sshll.u32 s28, $0x1;
	[dreg:$0x2] =	wrdreg s4  }
0xaa: {  	[dreg:$0x3] =	wrdreg s6  }
0xab: {  	[dreg:$0x4] =	wrdreg $0xC0  }
0xac: {  	_ =	task [dreg:s8], $0x5FFFF  }
0xad: {  	[dreg:$0x1] =	wrdreg $0xFFFFFFFF  }
0xae: {  	[dreg:$0x0] =	wrdreg $0x60  }
0xaf: {  	[dreg:$0x2] =	wrdreg s24  }
0xb0: {  	[dreg:$0x3] =	wrdreg s2  }
0xb1: {  	[dreg:$0x4] =	wrdreg s18  }
0xb2: {  	[dreg:$0x5] =	wrdreg $0x9  }
0xb3: {  	_ =	task.clear_ibuf [dreg:s8], $0x6FFFF;
	_ =	strace $0x90000046  }
0xb4: {  	s29 =	simm.s32 $0x9;
	_ =	strace $0x80000048  }
0xb5: {  	_ =	swait.ge [sflag:s29], $0x1  }
0xb6: {  	[sflag:s29] =	ssyncadd.s32 $0xFFFFFFFF  }
0xb7: {  	_ =	strace $0x90000048  }
0xb8: {  	_ =	sfence  }
0xb9: {  	s30 =	sld [smem:$0x0];
	_ =	sdelay $0x2  }
0xba: {  	s31 =	sshll.u32 s1, $0xD;
	s1 =	sshrl.u32 s1, $0x2  }
0xbb: {  	s3 =	sand.u32 $0x4000, s31;
	s1 =	sadd.s32 s1, s30  }
0xbc: {  	s0 =	sor.u32 s3, s0;
	s1 =	sshll.u32 s1, $0x11  }
0xbd: {  	s0 =	sor.u32 s1, s0  }
0xbe: {  	s0 =	sadd.s32 $0x8F2B, s0  }
0xbf: {  	[sflag:s0] =	ssyncadd.remote.s32 $0x1  }
0xc0: {  	_ =	sfence.sel $0xFFFF  }
0xc1: {  	[dreg:$0x0] =	wrdreg $0xFFFFFFFF;
	(pc) =	sbr.abs _section_cstart, $3  }
0xc2: {  	[dreg:$0x1] =	wrdreg $0xFFFFFFFF  }
0xc3: {  	_ =	task.clear_ibuf [dreg:s8], $0x2FFFF;
	_ =	strace $0x9FFFFFFF  }
0xc4: {  	(tm) =	ssettm $0x7FFFFFFF  }
0xc5: {  	_ =	shalt  }
tec
execute0_lowered:
.L_overlay_start_1:
0x0: {  	(tag) =	ssettag $0x1  }
0x1: {  	s0 =	rddreg [dreg:$0x0];
	s1 =	srdreg.scid  }
0x2: {  	s10 =	stileid.u32;
	s2 =	rddreg [dreg:$0x1]  }
0x3: {  	s4 =	rddreg [dreg:$0x2];
	s6 =	simm.s32 $0x0;
	s14 =	simm.s32 $0x9  }
0x4: {  	s15 =	simm.s32 $0x80;
	s16 =	simm.s32 $0x6400;
	s17 =	simm.s32 $0x8400  }
0x5: {  	s19 =	simm.s32 $0xA400;
	s28 =	simm.s32 $0x5;
	s8 =	smul.u32 $0x640000, s10  }
0x6: {  	s1 =	sand.u32 $0x1, s1;
	s3 =	sshll.u32 s10, $0x1;
	s10 =	smul.u32 $0xC800, s10  }
0x7: {  	s29 =	simm.s32 $0x6;
	s30 =	simm.s32 $0x7;
	s9 =	smul.u32 $0x320000, s1  }
0x8: {  	s3 =	sor.u32 s1, s3;
	s7 =	ssub.s32 $0x2, s1;
	s1 =	smul.u32 $0x6400, s1  }
0x9: {  	s31 =	simm.s32 $0x8;
	[smem:$0x7FF] =	sst s6;
	s5 =	smul.u32 $0x6400, s3  }
0xa: {  	_ =	strace $0x80000047;
	s21 =	smul.u32 $0x320000, s3;
	s22 =	sshrl.u32 s7, $0x1  }
0xb: {  	s3 =	sadd.s32 $0x1E84C00, s0;
	s0 =	ssub.s32 s7, s22;
	s25 =	sadd.s32 s9, s8  }
0xc: {  	s1 =	sadd.s32 s1, s10;
	s22 =	simm.s32 $0x1;
	s6 =	sshrl.u32 s21, $0x3  }
0xd: {  	s5 =	sshrl.u32 s5, $0x3;
	s1 =	sshll.u32 s1, $0x4;
	s9 =	smax.u32 s0, $0x1  }
0xe: {  	s21 =	simm.s32 $0xC400;
	s11 =	sadd.s32 s4, s6;
	s2 =	sadd.s32 s2, s5  }
0xf: {  	s26 =	sadd.s32 s1, s4;
	s1 =	simm.s32 $0x0;
	[dreg:$0x4] =	wrdreg s2  }
0x10: {  	s23 =	sadd.s32 $0x62000, s11;
	s24 =	sadd.s32 $0x62800, s11;
	s7 =	sadd.s32 $0x63000, s11  }
0x11: {  	s8 =	sadd.s32 $0x63800, s11;
	s2 =	sshrl.u32 s25, $0x3;
	s11 =	sadd.s32 $0x1800, s26  }
0x12: {  	s12 =	sadd.s32 $0x1000, s26;
	s13 =	sadd.s32 $0x800, s26;
	[dreg:$0x5] =	wrdreg s23  }
0x13: {  	s25 =	simm.s32 $0x3;
	s26 =	simm.s32 $0x4;
	[dreg:$0x6] =	wrdreg s24  }
0x14: {  	s10 =	sadd.s32 s2, s4;
	s23 =	simm.s32 $0x40;
	s24 =	simm.s32 $0x2  }
.LBB2_1:
0x15: {  	s0 =	simm.s32 $0x0;
	s2 =	rddreg [dreg:$0x4]  }
0x16: {  	[tilespmem:s0], [sflag:$0x9] =	stream.linear.gather [hbm4b:s2+s0], $0x6400, $0x38;
	[tilespmem:$0xE400] =	vst v63  }
0x17: {  	_ =	swait.ge [sflag:s14], $0x6400  }
0x18: {  	[sflag:s14] =	ssyncset.done $0x0  }
0x19: {  	[sflag:s14] =	ssyncadd.s32 $0xFFFF9C00  }
0x1a: {  	[tilespmem:s16], [sflag:$0x1] =	stream.indirect.gather [hbm4b:s3+s15], $0x40, s0, s15, $0xb8;
	[tilespmem:$0xE400] =	vst v63  }
0x1b: {  	_ = 	snop  }
0x1c: {  	[tilespmem:s17], [sflag:$0x2] =	stream.indirect.gather [hbm4b:s3+s15], $0x40, s15, s15, $0xb8;
	[tilespmem:$0xE400] =	vst v63  }
0x1d: {  	s4 =	simm.s32 $0x100  }
0x1e: {  	[tilespmem:s19], [sflag:$0x3] =	stream.indirect.gather [hbm4b:s3+s15], $0x40, s4, s15, $0xb8;
	[tilespmem:$0xE400] =	vst v63  }
0x1f: {  	s5 =	simm.s32 $0x180  }
0x20: {  	[tilespmem:s21], [sflag:$0x4] =	stream.indirect.gather [hbm4b:s3+s15], $0x40, s5, s15, $0xb8;
	[tilespmem:$0xE400] =	vst v63  }
0x21: {  	_ =	swait.ge [sflag:s22], $0x2000  }
0x22: {  	[sflag:s22] =	ssyncset.done $0x0  }
0x23: {  	[sflag:s22] =	ssyncadd.s32 $0xFFFFE000  }
0x24: {  	[hbm4b:s10+s23] =	stream.strided.scatter [tilespmem:s16], [sflag:$0x5], $0x2000, s15, s23, $0x38;
	[tilespmem:$0xE400] =	vst v63  }
0x25: {  	_ =	swait.ge [sflag:s24], $0x2000  }
0x26: {  	[sflag:s24] =	ssyncset.done $0x0  }
0x27: {  	[sflag:s24] =	ssyncadd.s32 $0xFFFFE000  }
0x28: {  	[hbm4b:s13+s23] =	stream.strided.scatter [tilespmem:s17], [sflag:$0x6], $0x2000, s15, s23, $0x38;
	[tilespmem:$0xE400] =	vst v63  }
0x29: {  	_ =	swait.ge [sflag:s25], $0x2000  }
0x2a: {  	[sflag:s25] =	ssyncset.done $0x0  }
0x2b: {  	[sflag:s25] =	ssyncadd.s32 $0xFFFFE000  }
0x2c: {  	[hbm4b:s12+s23] =	stream.strided.scatter [tilespmem:s19], [sflag:$0x7], $0x2000, s15, s23, $0x38;
	[tilespmem:$0xE400] =	vst v63  }
0x2d: {  	_ =	swait.ge [sflag:s26], $0x2000  }
0x2e: {  	[sflag:s26] =	ssyncset.done $0x0  }
0x2f: {  	[sflag:s26] =	ssyncadd.s32 $0xFFFFE000  }
0x30: {  	[hbm4b:s11+s23] =	stream.strided.scatter [tilespmem:s21], [sflag:$0x8], $0x2000, s15, s23, $0x38;
	[tilespmem:$0xE400] =	vst v63  }
0x31: {  	_ =	swait.ge [sflag:s28], $0x2000  }
0x32: {  	[sflag:s28] =	ssyncset.done $0x0  }
0x33: {  	s6 =	simm.s32 $0x200;
	[sflag:s28] =	ssyncadd.s32 $0xFFFFE000  }
0x34: {  	[tilespmem:s16], [sflag:$0x1] =	stream.indirect.gather [hbm4b:s3+s15], $0x40, s6, s15, $0xb8;
	[tilespmem:$0xE400] =	vst v63  }
0x35: {  	_ =	swait.ge [sflag:s29], $0x2000  }
0x36: {  	[sflag:s29] =	ssyncset.done $0x0  }
0x37: {  	s18 =	simm.s32 $0x280;
	[sflag:s29] =	ssyncadd.s32 $0xFFFFE000  }
0x38: {  	[tilespmem:s17], [sflag:$0x2] =	stream.indirect.gather [hbm4b:s3+s15], $0x40, s18, s15, $0xb8;
	[tilespmem:$0xE400] =	vst v63  }
0x39: {  	_ =	swait.ge [sflag:s30], $0x2000  }
0x3a: {  	[sflag:s30] =	ssyncset.done $0x0  }
0x3b: {  	s20 =	simm.s32 $0x300;
	[sflag:s30] =	ssyncadd.s32 $0xFFFFE000  }
0x3c: {  	[tilespmem:s19], [sflag:$0x3] =	stream.indirect.gather [hbm4b:s3+s15], $0x40, s20, s15, $0xb8;
	[tilespmem:$0xE400] =	vst v63  }
0x3d: {  	s2 =	sadd.s32 $0x2000, s12;
	s0 =	simm.s32 $0x800;
	_ =	swait.ge [sflag:s31], $0x2000  }
0x3e: {  	s4 =	sadd.s32 $0x2000, s10;
	s5 =	simm.s32 $0x380;
	[sflag:s31] =	ssyncset.done $0x0  }
0x3f: {  	s18 =	sadd.s32 $0x2000, s13;
	s20 =	sadd.s32 $0x2000, s11;
	[sflag:s31] =	ssyncadd.s32 $0xFFFFE000  }
.LBB2_2:
0x40: {  	[tilespmem:s21], [sflag:$0x4] =	stream.indirect.gather [hbm4b:s3+s15], $0x40, s5, s15, $0xb8;
	[tilespmem:$0xE400] =	vst v63  }
0x41: {  	s5 =	smov.u32 s0  }
0x42: {  	p0 =	sne.s32 s0, $0x18000;
	s0 =	sadd.s32 $0x800, s0;
	_ =	swait.ge [sflag:s22], $0x2000  }
0x43: {  	[sflag:s22] =	ssyncset.done $0x0  }
0x44: {  	[sflag:s22] =	ssyncadd.s32 $0xFFFFE000  }
0x45: {  	[hbm4b:s4+s23] =	stream.strided.scatter [tilespmem:s16], [sflag:$0x5], $0x2000, s15, s23, $0x38;
	[tilespmem:$0xE400] =	vst v63  }
0x46: {  	_ =	swait.ge [sflag:s24], $0x2000  }
0x47: {  	[sflag:s24] =	ssyncset.done $0x0  }
0x48: {  	[sflag:s24] =	ssyncadd.s32 $0xFFFFE000  }
0x49: {  	[hbm4b:s18+s23] =	stream.strided.scatter [tilespmem:s17], [sflag:$0x6], $0x2000, s15, s23, $0x38;
	[tilespmem:$0xE400] =	vst v63  }
0x4a: {  	_ =	swait.ge [sflag:s25], $0x2000  }
0x4b: {  	[sflag:s25] =	ssyncset.done $0x0  }
0x4c: {  	[sflag:s25] =	ssyncadd.s32 $0xFFFFE000  }
0x4d: {  	[hbm4b:s2+s23] =	stream.strided.scatter [tilespmem:s19], [sflag:$0x7], $0x2000, s15, s23, $0x38;
	[tilespmem:$0xE400] =	vst v63  }
0x4e: {  	_ =	swait.ge [sflag:s26], $0x2000  }
0x4f: {  	[sflag:s26] =	ssyncset.done $0x0  }
0x50: {  	[sflag:s26] =	ssyncadd.s32 $0xFFFFE000  }
0x51: {  	[hbm4b:s20+s23] =	stream.strided.scatter [tilespmem:s21], [sflag:$0x8], $0x2000, s15, s23, $0x38;
	[tilespmem:$0xE400] =	vst v63  }
0x52: {  	_ =	swait.ge [sflag:s28], $0x2000  }
0x53: {  	s5 =	sshra.s32 s5, $0x2;
	[sflag:s28] =	ssyncset.done $0x0  }
0x54: {  	s6 =	sadd.s32 $0x200, s5;
	[sflag:s28] =	ssyncadd.s32 $0xFFFFE000  }
0x55: {  	[tilespmem:s16], [sflag:$0x1] =	stream.indirect.gather [hbm4b:s3+s15], $0x40, s6, s15, $0xb8;
	[tilespmem:$0xE400] =	vst v63  }
0x56: {  	_ =	swait.ge [sflag:s29], $0x2000  }
0x57: {  	[sflag:s29] =	ssyncset.done $0x0  }
0x58: {  	s6 =	sadd.s32 $0x280, s5;
	[sflag:s29] =	ssyncadd.s32 $0xFFFFE000  }
0x59: {  	[tilespmem:s17], [sflag:$0x2] =	stream.indirect.gather [hbm4b:s3+s15], $0x40, s6, s15, $0xb8;
	[tilespmem:$0xE400] =	vst v63  }
0x5a: {  	_ =	swait.ge [sflag:s30], $0x2000  }
0x5b: {  	[sflag:s30] =	ssyncset.done $0x0  }
.Ltmp0:
0x5c: {  	s6 =	sadd.s32 $0x300, s5;
	[sflag:s30] =	ssyncadd.s32 $0xFFFFE000;
	(pc) =	sbr.rel @p0 .LBB2_2-.Ltmp0, $4  }
0x5d: {  	[tilespmem:s19], [sflag:$0x3] =	stream.indirect.gather [hbm4b:s3+s15], $0x40, s6, s15, $0xb8;
	[tilespmem:$0xE400] =	vst v63  }
0x5e: {  	s18 =	sadd.s32 $0x2000, s18;
	_ =	swait.ge [sflag:s31], $0x2000  }
0x5f: {  	s2 =	sadd.s32 $0x2000, s2;
	s20 =	sadd.s32 $0x2000, s20;
	[sflag:s31] =	ssyncset.done $0x0  }
0x60: {  	s4 =	sadd.s32 $0x2000, s4;
	s5 =	sadd.s32 $0x380, s5;
	[sflag:s31] =	ssyncadd.s32 $0xFFFFE000  }
0x61: {  	[tilespmem:s21], [sflag:$0x4] =	stream.indirect.gather [hbm4b:s3+s15], $0x40, s5, s15, $0xb8;
	[tilespmem:$0xE400] =	vst v63  }
0x62: {  	_ =	swait.ge [sflag:s22], $0x2000  }
0x63: {  	[sflag:s22] =	ssyncset.done $0x0  }
0x64: {  	s0 =	rddreg [dreg:$0x5];
	[sflag:s22] =	ssyncadd.s32 $0xFFFFE000  }
0x65: {  	[hbm4b:s0+s23] =	stream.strided.scatter [tilespmem:s16], [sflag:$0x5], $0x2000, s15, s23, $0x38;
	[tilespmem:$0xE400] =	vst v63  }
0x66: {  	_ =	swait.ge [sflag:s24], $0x2000  }
0x67: {  	[sflag:s24] =	ssyncset.done $0x0  }
0x68: {  	s20 =	rddreg [dreg:$0x6];
	[sflag:s24] =	ssyncadd.s32 $0xFFFFE000  }
0x69: {  	[hbm4b:s20+s23] =	stream.strided.scatter [tilespmem:s17], [sflag:$0x6], $0x2000, s15, s23, $0x38;
	[tilespmem:$0xE400] =	vst v63  }
0x6a: {  	_ =	swait.ge [sflag:s25], $0x2000  }
0x6b: {  	[sflag:s25] =	ssyncset.done $0x0  }
0x6c: {  	[sflag:s25] =	ssyncadd.s32 $0xFFFFE000  }
0x6d: {  	[hbm4b:s7+s23] =	stream.strided.scatter [tilespmem:s19], [sflag:$0x7], $0x2000, s15, s23, $0x38;
	[tilespmem:$0xE400] =	vst v63  }
0x6e: {  	_ =	swait.ge [sflag:s26], $0x2000  }
0x6f: {  	[sflag:s26] =	ssyncset.done $0x0  }
0x70: {  	[sflag:s26] =	ssyncadd.s32 $0xFFFFE000  }
0x71: {  	[hbm4b:s8+s23] =	stream.strided.scatter [tilespmem:s21], [sflag:$0x8], $0x2000, s15, s23, $0x38;
	[tilespmem:$0xE400] =	vst v63  }
0x72: {  	_ =	swait.ge [sflag:s28], $0x2000  }
0x73: {  	[sflag:s28] =	ssyncset.done $0x0  }
0x74: {  	[sflag:s28] =	ssyncadd.s32 $0xFFFFE000  }
0x75: {  	_ =	swait.ge [sflag:s29], $0x2000  }
0x76: {  	[sflag:s29] =	ssyncset.done $0x0  }
0x77: {  	s1 =	sadd.s32 $0x1, s1;
	[sflag:s29] =	ssyncadd.s32 $0xFFFFE000  }
0x78: {  	p0 =	sne.s32 s1, s9;
	_ =	swait.ge [sflag:s30], $0x2000  }
.Ltmp1:
0x79: {  	[sflag:s30] =	ssyncset.done $0x0;
	(pc) =	sbr.rel @p0 .LBB2_1-.Ltmp1, $4  }
0x7a: {  	[sflag:s30] =	ssyncadd.s32 $0xFFFFE000  }
0x7b: {  	_ =	swait.ge [sflag:s31], $0x2000  }
0x7c: {  	[sflag:s31] =	ssyncset.done $0x0  }
0x7d: {  	[sflag:s31] =	ssyncadd.s32 $0xFFFFE000  }
0x7e: {  	_ =	sfence.sel $0x180000  }
0x7f: {  	[bflag:$0x0] =	sbarrier.arrive $0xFFFF  }
0x80: {  	_ =	strace $0x90000047  }
0x81: {  	s0 =	stileid.u32;
	[bflag:$0x2] =	sbarrier.arrive $0xFFFF  }
0x82: {  	p0 =	sne.s32 s0, $0x0;
	s0 =	rddreg [dreg:$0x3]  }
0x83: {  	s0 =	sadd.s32 @!p0 $0x100000, s0  }
0x84: {  	[sflag:s0] =	ssyncadd.tile.s32 @!p0 $0x1;
	_ =	shalt  }
.Lfunc_end2:
_tile_overlayer_lowered:
.L_overlay_start_2:
0x85: {  	(tag) =	ssettag $0x2  }
0x86: {  	s0 =	rddreg [dreg:$0x0];
	s2 =	stileid.u32  }
0x87: {  	s1 =	rddreg [dreg:$0x1];
	p0 =	sne.s32 s2, $0x0  }
0x88: {  	s3 =	rddreg [dreg:$0x2];
	[bflag:$0x3] =	sbarrier.arrive $0xFFFF;
	s2 =	simm.s32 @!p0 $0x1C09  }
0x89: {  	[timem:s3], [sflag:s2] =	dma.local @!p0 [hbm:s0], s1  }
0x8a: {  	s0 =	simm.s32 @!p0 $0x9  }
0x8b: {  	_ =	swait.ge @!p0 [sflag:s0], s1  }
0x8c: {  	s1 =	ssub.s32 @!p0 $0x0, s1;
	[sflag:s0] =	ssyncset.done @!p0 $0x0  }
0x8d: {  	[sflag:s0] =	ssyncadd.s32 @!p0 s1  }
0x8e: {  	[bflag:$0x3] =	sbarrier.arrive $0xFFFF  }
0x8f: {  	_ =	shalt  }

</sc_bundles>
